<compile_context>
chip_gen: v7x
topology: tpu7x:2x2x1
jax: 0.10.2.dev20260603
libtpu: 0.0.44.dev20260713+nightly
codegen_flags: <defaults>
</compile_context>

<pallas_src>
import functools

import jax
import jax.numpy as jnp
from jax import lax
from jax.experimental import pallas as pl
from jax.experimental.pallas import tpu as pltpu
from jax.experimental.pallas import tpu_sc as plsc

NC = 2
NS = 16
L = 16
NW = NC * NS
CHUNK = 128


def _encode(nodes, w_e16, b_e16):
  n, d = nodes.shape
  blk = 1000
  grid = n // blk

  def body(x_ref, w_ref, b_ref, o_ref):
    acc = jnp.dot(x_ref[...], w_ref[...], preferred_element_type=jnp.float32)
    o_ref[...] = jnp.maximum(acc + b_ref[...], 0.0)

  return pl.pallas_call(
      body,
      grid=(grid,),
      in_specs=[
          pl.BlockSpec((blk, d), lambda i: (i, 0)),
          pl.BlockSpec((d, L), lambda i: (0, 0)),
          pl.BlockSpec((1, L), lambda i: (0, 0)),
      ],
      out_specs=pl.BlockSpec((blk, L), lambda i: (i, 0)),
      out_shape=jax.ShapeDtypeStruct((n, L), jnp.float32),
  )(nodes, w_e16, b_e16)


def _sc_segment_sum(vodes16, senders_p, receivers_p, n_acc, n_chunks):
  rows_per_tile = n_acc // NS
  n_vod = vodes16.shape[0]
  vrows_per_tile = n_vod // NS
  mesh = plsc.VectorSubcoreMesh(core_axis_name="c", subcore_axis_name="s")

  @functools.partial(
      pl.kernel,
      out_type=jax.ShapeDtypeStruct((NC, n_acc, L), jnp.float32),
      mesh=mesh,
      scratch_types=[
          pltpu.VMEM((n_chunks, CHUNK), jnp.int32),
          pltpu.VMEM((n_chunks, CHUNK), jnp.int32),
          pltpu.VMEM((CHUNK, L), jnp.float32),
          pltpu.VMEM((CHUNK, L), jnp.float32),
          pltpu.VMEM((rows_per_tile, L), jnp.float32),
          pltpu.VMEM_SHARED((n_vod, L), jnp.float32),
          pltpu.VMEM_SHARED((n_acc, L), jnp.float32),
          pltpu.SemaphoreType.DMA,
          pltpu.SemaphoreType.DMA,
          pltpu.SemaphoreType.DMA,
      ],
      compiler_params=pltpu.CompilerParams(use_tc_tiling_on_sc=False),
  )
  def k(vodes_hbm, s_hbm, r_hbm, out_hbm, idx_s, idx_r, rows0, rows1, stage,
        vod_sh, acc, sem0, sem1, semi):
    c = lax.axis_index("c")
    s = lax.axis_index("s")
    wid = s * NC + c
    bufs = (rows0, rows1)
    sems = (sem0, sem1)

    row0 = wid * n_chunks
    s_idx = pltpu.async_copy(s_hbm.at[pl.ds(row0, n_chunks)], idx_s, semi)
    r_idx = pltpu.async_copy(r_hbm.at[pl.ds(row0, n_chunks)], idx_r, semi)
    v0 = s * vrows_per_tile
    v_stage = pltpu.async_copy(vodes_hbm.at[pl.ds(v0, vrows_per_tile)],
                               vod_sh.at[pl.ds(v0, vrows_per_tile)], semi)

    def zero_body(i, carry):
      stage[i, :] = jnp.zeros((L,), jnp.float32)
      return carry

    lax.fori_loop(0, rows_per_tile, zero_body, 0)
    r0 = s * rows_per_tile
    pltpu.sync_copy(stage, acc.at[pl.ds(r0, rows_per_tile)])
    s_idx.wait()
    r_idx.wait()
    v_stage.wait()
    plsc.subcore_barrier()

    pltpu.async_copy(vod_sh.at[idx_s.at[0]], bufs[0], sems[0])

    @pl.loop(0, n_chunks, step=2)
    def edge_loop(io):
      for b in range(2):
        i = io + b
        nxt = bufs[1 - b]

        @pl.when(i + 1 < n_chunks)
        def _():
          pltpu.async_copy(vod_sh.at[idx_s.at[i + 1]], nxt, sems[1 - b])

        pltpu.make_async_copy(vod_sh.at[idx_s.at[i]], bufs[b],
                              sems[b]).wait()
        pltpu.sync_copy(bufs[b], acc.at[idx_r.at[i]], add=True)

    plsc.subcore_barrier()

    pltpu.sync_copy(acc.at[pl.ds(r0, rows_per_tile)], stage)
    pltpu.sync_copy(stage, out_hbm.at[c].at[pl.ds(r0, rows_per_tile)])

  return k(vodes16, senders_p, receivers_p)


def _finalize(vodes16, msg, w_i16, b_i, w_a1p, b_a1, w_a2, b_a2,
              w_c1p, b_c1, w_c2, b_c2):
  n = vodes16.shape[0]

  def body(v_ref, m_ref, wi_ref, bi_ref, wa1_ref, ba1_ref, wa2_ref, ba2_ref,
           wc1_ref, bc1_ref, wc2_ref, bc2_ref, lo_ref, vo_ref):
    v = v_ref[...]
    m = m_ref[0, :n, :] + m_ref[1, :n, :]
    wi = wi_ref[...]
    bi = bi_ref[0, 0]
    a = 10.0 * (jnp.dot(v, wi, preferred_element_type=jnp.float32) + bi)
    vnew = v + a * m
    infl = jnp.dot(vnew, wi, preferred_element_type=jnp.float32) + bi
    mx = jnp.max(infl)
    w = jnp.exp(infl - mx)
    denom = jnp.sum(w)
    gr = jnp.sum(vnew * w, axis=0, keepdims=True) / denom
    h_a = jnp.maximum(
        jnp.dot(gr, wa1_ref[...], preferred_element_type=jnp.float32)
        + ba1_ref[...], 0.0)
    lo_ref[...] = (jnp.dot(h_a, wa2_ref[...],
                           preferred_element_type=jnp.float32) + ba2_ref[...])
    h_c = jnp.maximum(
        jnp.dot(gr, wc1_ref[...], preferred_element_type=jnp.float32)
        + bc1_ref[...], 0.0)
    vo_ref[...] = (jnp.dot(h_c, wc2_ref[...],
                           preferred_element_type=jnp.float32) + bc2_ref[...])

  return pl.pallas_call(
      body,
      out_shape=(jax.ShapeDtypeStruct((1, 3), jnp.float32),
                 jax.ShapeDtypeStruct((1, 1), jnp.float32)),
  )(vodes16, msg, w_i16, b_i.reshape(1, 1), w_a1p, b_a1.reshape(1, -1),
    w_a2, b_a2.reshape(1, -1), w_c1p, b_c1.reshape(1, -1),
    w_c2, b_c2.reshape(1, -1))


def kernel(nodes, senders, receivers, W_e, b_e, W_i, b_i,
           W_a1, b_a1, W_a2, b_a2, W_c1, b_c1, W_c2, b_c2):
  n, d = nodes.shape
  e = senders.shape[0]
  f = W_e.shape[1]

  w_e16 = jnp.pad(W_e, ((0, 0), (0, L - f)))
  b_e16 = jnp.pad(b_e, (0, L - f)).reshape(1, L)
  w_i16 = jnp.pad(W_i, ((0, L - f), (0, 0)))
  w_a1p = jnp.pad(W_a1, ((0, L - f), (0, 0)))
  w_c1p = jnp.pad(W_c1, ((0, L - f), (0, 0)))

  vodes16 = _encode(nodes, w_e16, b_e16)

  epw = -(-e // (NW * 2 * CHUNK)) * 2 * CHUNK
  e_pad = epw * NW
  n_chunks = epw // CHUNK
  pad = e_pad - e
  senders_p = jnp.concatenate(
      [senders, jnp.zeros((pad,), jnp.int32)]).reshape(NW * n_chunks, CHUNK)
  receivers_p = jnp.concatenate(
      [receivers, jnp.full((pad,), n, jnp.int32)]).reshape(NW * n_chunks, CHUNK)
  n_acc = -(-(n + 1) // (NS * 8)) * NS * 8

  msg = _sc_segment_sum(vodes16, senders_p, receivers_p, n_acc, n_chunks)

  logits, value = _finalize(vodes16, msg, w_i16, b_i, w_a1p, b_a1, W_a2, b_a2,
                            w_c1p, b_c1, W_c2, b_c2)
  return (logits[0], value[0])

# --- scband reference (transcript-rebuilt; emitter-appended) ---
"""Pipeline reference for scband-graph-net-v2-77927886619430 (READ-ONLY COPY).

The authoritative reference and input builder live on the scoring server;
editing this copy changes nothing except your own understanding.
"""

import jax, jax.numpy as jnp
import numpy as np

N, E, D = 10000, 160000, 256

def setup_inputs(seed: int = 0):
    key = jax.random.key(seed)
    ks = jax.random.split(key, 16)
    nodes = jax.random.normal(ks[0], (N, D), dtype=jnp.float32)
    senders = jax.random.randint(ks[1], (E,), 0, N, dtype=jnp.int32)
    receivers = jax.random.randint(ks[2], (E,), 0, N, dtype=jnp.int32)
    # EncodeNet: Dense(12)
    W_e = jax.random.normal(ks[3], (D, 12), dtype=jnp.float32) * 0.05
    b_e = jnp.zeros((12,), dtype=jnp.float32)
    # InfluenceNet: Dense(1) (shared for attention and pooling, as in the flax module)
    W_i = jax.random.normal(ks[4], (12, 1), dtype=jnp.float32) * 0.05
    b_i = jnp.zeros((1,), dtype=jnp.float32)
    # ActNet: Dense(128) -> relu -> Dense(3)
    W_a1 = jax.random.normal(ks[5], (12, 128), dtype=jnp.float32) * 0.05
    b_a1 = jnp.zeros((128,), dtype=jnp.float32)
    W_a2 = jax.random.normal(ks[6], (128, 3), dtype=jnp.float32) * 0.05
    b_a2 = jnp.zeros((3,), dtype=jnp.float32)
    # CritNet: Dense(16) -> relu -> Dense(1)
    W_c1 = jax.random.normal(ks[7], (12, 16), dtype=jnp.float32) * 0.05
    b_c1 = jnp.zeros((16,), dtype=jnp.float32)
    W_c2 = jax.random.normal(ks[8], (16, 1), dtype=jnp.float32) * 0.05
    b_c2 = jnp.zeros((1,), dtype=jnp.float32)
    return {"nodes": nodes, "senders": senders, "receivers": receivers,
            "W_e": W_e, "b_e": b_e, "W_i": W_i, "b_i": b_i,
            "W_a1": W_a1, "b_a1": b_a1, "W_a2": W_a2, "b_a2": b_a2,
            "W_c1": W_c1, "b_c1": b_c1, "W_c2": W_c2, "b_c2": b_c2}

def reference(nodes, senders, receivers, W_e, b_e, W_i, b_i, W_a1, b_a1, W_a2, b_a2, W_c1, b_c1, W_c2, b_c2):
    n_nodes = nodes.shape[0]
    # node_encoder
    vodes = jax.nn.relu(nodes @ W_e + b_e)
    # gather sender / receiver features
    sending_nodes = vodes[senders]
    receiving_nodes = vodes[receivers]
    # attention score from receiving nodes via InfluenceNet
    attention_score = 10.0 * (receiving_nodes @ W_i + b_i)
    send_messages = attention_score.squeeze()[:, None] * sending_nodes
    # aggregate messages per destination node
    messages = jax.ops.segment_sum(send_messages, receivers, num_segments=n_nodes)
    vodes = vodes + messages
    # influence-based softmax pooling over the whole graph
    influence = vodes @ W_i + b_i
    alpha = jax.nn.softmax(influence, axis=0)
    graph_representation = jnp.sum(vodes * alpha, axis=0)
    # actor head
    h_a = jax.nn.relu(graph_representation @ W_a1 + b_a1)
    logits = h_a @ W_a2 + b_a2
    # critic head
    h_c = jax.nn.relu(graph_representation @ W_c1 + b_c1)
    value = h_c @ W_c2 + b_c2
    return (logits, value)

if __name__ == "__main__":
    import jax
    _d = setup_inputs()
    print(jax.jit(kernel)(*tuple(_d.values())))

</pallas_src>

<mosaic_0001>
#map = affine_map<(d0, d1) -> (0, 0)>
#map1 = affine_map<(d0, d1) -> (0, 0, 0)>
module attributes {stable_mosaic.version = 14 : i64} {
  func.func @k(%arg0: i32, %arg1: i32, %arg2: memref<10000x16xf32, #tpu.memory_space<hbm>>, %arg3: memref<1280x128xi32, #tpu.memory_space<hbm>>, %arg4: memref<1280x128xi32, #tpu.memory_space<hbm>>, %arg5: memref<2x10112x16xf32, #tpu.memory_space<hbm>>, %arg6: memref<40x128xi32, #tpu.memory_space<vmem>>, %arg7: memref<40x128xi32, #tpu.memory_space<vmem>>, %arg8: memref<128x16xf32, #tpu.memory_space<vmem>>, %arg9: memref<128x16xf32, #tpu.memory_space<vmem>>, %arg10: memref<632x16xf32, #tpu.memory_space<vmem>>, %arg11: memref<10000x16xf32, #tpu.memory_space<vmem_shared>>, %arg12: memref<10112x16xf32, #tpu.memory_space<vmem_shared>>, %arg13: memref<!tpu.dma_semaphore, #tpu.memory_space<semaphore_mem>>, %arg14: memref<!tpu.dma_semaphore, #tpu.memory_space<semaphore_mem>>, %arg15: memref<!tpu.dma_semaphore, #tpu.memory_space<semaphore_mem>>) attributes {dimension_semantics = [#tpu.dimension_semantics<core_parallel>, #tpu.dimension_semantics<subcore_parallel>], iteration_bounds = array<i64: 2, 16>, scalar_prefetch = 0 : i64, scratch_operands = 10 : i64, tpu.core_type = #tpu.core_type<sc_vector_subcore>, window_params = [{transform_indices = #map}, {transform_indices = #map}, {transform_indices = #map}, {transform_indices = #map1}]} {
    %mul3A = arith.constant 2 : i32
    %mul3A_0 = arith.muli %arg1, %mul3A : i32
    %add3A = arith.addi %mul3A_0, %arg0 : i32
    %mul3A_1 = arith.constant 40 : i32
    %mul3A_2 = arith.muli %add3A, %mul3A_1 : i32
    %dma_start3A = arith.constant 0 : i32
    %dma_start3A_3 = tpu.memref_slice %arg3[%mul3A_2, %dma_start3A] : memref<1280x128xi32, #tpu.memory_space<hbm>> -> memref<40x128xi32, #tpu.memory_space<hbm>>
    %dma_start3A_4 = arith.constant 0 : i32
    %dma_start3A_5 = tpu.memref_slice %arg3[%mul3A_2, %dma_start3A_4] : memref<1280x128xi32, #tpu.memory_space<hbm>> -> memref<40x128xi32, #tpu.memory_space<hbm>>
    tpu.enqueue_dma source(%dma_start3A_5 : memref<40x128xi32, #tpu.memory_space<hbm>>) target(%arg6 : memref<40x128xi32, #tpu.memory_space<vmem>>) target_semaphore(%arg15 : memref<!tpu.dma_semaphore, #tpu.memory_space<semaphore_mem>>)
    %dma_start3A_6 = arith.constant 0 : i32
    %dma_start3A_7 = tpu.memref_slice %arg4[%mul3A_2, %dma_start3A_6] : memref<1280x128xi32, #tpu.memory_space<hbm>> -> memref<40x128xi32, #tpu.memory_space<hbm>>
    %dma_start3A_8 = arith.constant 0 : i32
    %dma_start3A_9 = tpu.memref_slice %arg4[%mul3A_2, %dma_start3A_8] : memref<1280x128xi32, #tpu.memory_space<hbm>> -> memref<40x128xi32, #tpu.memory_space<hbm>>
    tpu.enqueue_dma source(%dma_start3A_9 : memref<40x128xi32, #tpu.memory_space<hbm>>) target(%arg7 : memref<40x128xi32, #tpu.memory_space<vmem>>) target_semaphore(%arg15 : memref<!tpu.dma_semaphore, #tpu.memory_space<semaphore_mem>>)
    %mul3A_10 = arith.constant 625 : i32
    %mul3A_11 = arith.muli %arg1, %mul3A_10 : i32
    %dma_start3A_12 = arith.constant 0 : i32
    %dma_start3A_13 = tpu.memref_slice %arg11[%mul3A_11, %dma_start3A_12] : memref<10000x16xf32, #tpu.memory_space<vmem_shared>> -> memref<625x16xf32, #tpu.memory_space<vmem_shared>>
    %dma_start3A_14 = arith.constant 0 : i32
    %dma_start3A_15 = tpu.memref_slice %arg2[%mul3A_11, %dma_start3A_14] : memref<10000x16xf32, #tpu.memory_space<hbm>> -> memref<625x16xf32, #tpu.memory_space<hbm>>
    tpu.enqueue_dma source(%dma_start3A_15 : memref<625x16xf32, #tpu.memory_space<hbm>>) target(%dma_start3A_13 : memref<625x16xf32, #tpu.memory_space<vmem_shared>>) target_semaphore(%arg15 : memref<!tpu.dma_semaphore, #tpu.memory_space<semaphore_mem>>)
    %scan3A = arith.constant 0 : i32
    %scan3A_16 = arith.constant 0 : i32
    %scan3A_17 = arith.constant 632 : i32
    %scan3A_18 = arith.addi %scan3A_16, %scan3A_17 : i32
    %scan3A_19 = arith.constant 1 : i32
    scf.for %scan3A_47 = %scan3A_16 to %scan3A_18 step %scan3A_19  : i32 {
      %broadcast_in_dim3A = arith.constant 0.000000e+00 : f32
      %broadcast_in_dim3A_48 = vector.broadcast %broadcast_in_dim3A : f32 to vector<16xf32>
      %swap3A = arith.index_cast %scan3A_47 : i32 to index
      %swap3A_49 = arith.constant 0 : index
      %swap3A_50 = tpu.vector_load %arg10[%swap3A, %swap3A_49] {strides = array<i32>} : memref<632x16xf32, #tpu.memory_space<vmem>>, vector<1x16xf32>,
      %swap3A_51 = vector.shape_cast %swap3A_50 : vector<1x16xf32> to vector<16xf32>
      %swap3A_52 = vector.shape_cast %broadcast_in_dim3A_48 : vector<16xf32> to vector<1x16xf32>
      tpu.vector_store %arg10[%swap3A, %swap3A_49], %swap3A_52 {strides = array<i32>} : memref<632x16xf32, #tpu.memory_space<vmem>>, vector<1x16xf32>,
    }
    %scan3A_20 = arith.constant 632 : i32
    %mul3A_21 = arith.constant 632 : i32
    %mul3A_22 = arith.muli %arg1, %mul3A_21 : i32
    "tpu.region"() ({
      %run_scoped3A = tpu.sem_alloc : memref<!tpu.dma_semaphore, #tpu.memory_space<semaphore_mem>>
      %dma_start3A_47 = arith.constant 0 : i32
      %dma_start3A_48 = tpu.memref_slice %arg12[%mul3A_22, %dma_start3A_47] : memref<10112x16xf32, #tpu.memory_space<vmem_shared>> -> memref<632x16xf32, #tpu.memory_space<vmem_shared>>
      %dma_start3A_49 = arith.constant 0 : i32
      %dma_start3A_50 = tpu.memref_slice %arg12[%mul3A_22, %dma_start3A_49] : memref<10112x16xf32, #tpu.memory_space<vmem_shared>> -> memref<632x16xf32, #tpu.memory_space<vmem_shared>>
      tpu.enqueue_dma source(%arg10 : memref<632x16xf32, #tpu.memory_space<vmem>>) target(%dma_start3A_50 : memref<632x16xf32, #tpu.memory_space<vmem_shared>>) target_semaphore(%run_scoped3A : memref<!tpu.dma_semaphore, #tpu.memory_space<semaphore_mem>>)
      %dma_wait3A_51 = arith.constant 0 : i32
      %dma_wait3A_52 = tpu.memref_slice %arg12[%mul3A_22, %dma_wait3A_51] : memref<10112x16xf32, #tpu.memory_space<vmem_shared>> -> memref<632x16xf32, #tpu.memory_space<vmem_shared>>
      %dma_wait3A_53 = arith.constant 0 : i32
      %dma_wait3A_54 = tpu.memref_slice %arg12[%mul3A_22, %dma_wait3A_53] : memref<10112x16xf32, #tpu.memory_space<vmem_shared>> -> memref<632x16xf32, #tpu.memory_space<vmem_shared>>
      tpu.wait_dma2 semaphore(%run_scoped3A : memref<!tpu.dma_semaphore, #tpu.memory_space<semaphore_mem>>) src(%arg10 : memref<632x16xf32, #tpu.memory_space<vmem>>) dst(%dma_wait3A_54 : memref<632x16xf32, #tpu.memory_space<vmem_shared>>)
      tpu.yield
    }) : () -> ()
    %dma_wait3A = arith.constant 0 : i32
    %dma_wait3A_23 = tpu.memref_slice %arg3[%mul3A_2, %dma_wait3A] : memref<1280x128xi32, #tpu.memory_space<hbm>> -> memref<40x128xi32, #tpu.memory_space<hbm>>
    %dma_wait3A_24 = arith.constant 0 : i32
    %dma_wait3A_25 = tpu.memref_slice %arg3[%mul3A_2, %dma_wait3A_24] : memref<1280x128xi32, #tpu.memory_space<hbm>> -> memref<40x128xi32, #tpu.memory_space<hbm>>
    tpu.wait_dma2 semaphore(%arg15 : memref<!tpu.dma_semaphore, #tpu.memory_space<semaphore_mem>>) src(%dma_wait3A_25 : memref<40x128xi32, #tpu.memory_space<hbm>>) dst(%arg6 : memref<40x128xi32, #tpu.memory_space<vmem>>)
    %dma_wait3A_26 = arith.constant 0 : i32
    %dma_wait3A_27 = tpu.memref_slice %arg4[%mul3A_2, %dma_wait3A_26] : memref<1280x128xi32, #tpu.memory_space<hbm>> -> memref<40x128xi32, #tpu.memory_space<hbm>>
    %dma_wait3A_28 = arith.constant 0 : i32
    %dma_wait3A_29 = tpu.memref_slice %arg4[%mul3A_2, %dma_wait3A_28] : memref<1280x128xi32, #tpu.memory_space<hbm>> -> memref<40x128xi32, #tpu.memory_space<hbm>>
    tpu.wait_dma2 semaphore(%arg15 : memref<!tpu.dma_semaphore, #tpu.memory_space<semaphore_mem>>) src(%dma_wait3A_29 : memref<40x128xi32, #tpu.memory_space<hbm>>) dst(%arg7 : memref<40x128xi32, #tpu.memory_space<vmem>>)
    %dma_wait3A_30 = arith.constant 0 : i32
    %dma_wait3A_31 = tpu.memref_slice %arg11[%mul3A_11, %dma_wait3A_30] : memref<10000x16xf32, #tpu.memory_space<vmem_shared>> -> memref<625x16xf32, #tpu.memory_space<vmem_shared>>
    %dma_wait3A_32 = arith.constant 0 : i32
    %dma_wait3A_33 = tpu.memref_slice %arg2[%mul3A_11, %dma_wait3A_32] : memref<10000x16xf32, #tpu.memory_space<hbm>> -> memref<625x16xf32, #tpu.memory_space<hbm>>
    tpu.wait_dma2 semaphore(%arg15 : memref<!tpu.dma_semaphore, #tpu.memory_space<semaphore_mem>>) src(%dma_wait3A_33 : memref<625x16xf32, #tpu.memory_space<hbm>>) dst(%dma_wait3A_31 : memref<625x16xf32, #tpu.memory_space<vmem_shared>>)
    %barrier3A = arith.constant 0 : index
    tpu.barrier barrier_id(%barrier3A)
    %dma_start3A_34 = arith.constant 0 : i32
    %dma_start3A_35 = arith.constant 0 : i32
    %dma_start3A_36 = tpu.memref_slice %arg6[%dma_start3A_34, %dma_start3A_35] : memref<40x128xi32, #tpu.memory_space<vmem>> -> memref<1x128xi32, #tpu.memory_space<vmem>>
    %dma_start3A_37 = tpu.memref_squeeze %dma_start3A_36 : memref<1x128xi32, #tpu.memory_space<vmem>> -> memref<128xi32, #tpu.memory_space<vmem>>
    %dma_start3A_38 = arith.constant 0 : i32
    %dma_start3A_39 = arith.constant 0 : i32
    %dma_start3A_40 = tpu.memref_slice %arg11[%dma_start3A_38, %dma_start3A_39] : memref<10000x16xf32, #tpu.memory_space<vmem_shared>> -> memref<10000x16xf32, #tpu.memory_space<vmem_shared>>
    tpu.enqueue_indirect_dma source(%dma_start3A_40 : memref<10000x16xf32, #tpu.memory_space<vmem_shared>>) target(%arg8 : memref<128x16xf32, #tpu.memory_space<vmem>>) offsets(%dma_start3A_37 : memref<128xi32, #tpu.memory_space<vmem>>) semaphore(%arg13 : memref<!tpu.dma_semaphore, #tpu.memory_space<semaphore_mem>>)
    %scan3A_41 = arith.constant 0 : i32
    %scan3A_42 = arith.constant 20 : i32
    %scan3A_43 = arith.addi %scan3A_41, %scan3A_42 : i32
    %scan3A_44 = arith.constant 1 : i32
    scf.for %scan3A_47 = %scan3A_41 to %scan3A_43 step %scan3A_44  : i32 {
      %mul3A_48 = arith.constant 2 : i32
      %mul3A_49 = arith.muli %scan3A_47, %mul3A_48 : i32
      %add3A_50 = arith.constant 0 : i32
      %add3A_51 = arith.addi %add3A_50, %mul3A_49 : i32
      %add3A_52 = arith.constant 0 : i32
      %add3A_53 = arith.addi %add3A_51, %add3A_52 : i32
      %add3A_54 = arith.constant 1 : i32
      %add3A_55 = arith.addi %add3A_53, %add3A_54 : i32
      %lt3A = arith.constant 40 : i32
      %lt3A_56 = arith.cmpi slt, %add3A_55, %lt3A : i32
      %convert_element_type3A = arith.extui %lt3A_56 : i1 to i32
      %cond3A = arith.constant 0 : i32
      %cond3A_57 = arith.cmpi ne, %convert_element_type3A, %cond3A : i32
      scf.if %cond3A_57 {
        %add3A_79 = arith.constant 1 : i32
        %add3A_80 = arith.addi %add3A_53, %add3A_79 : i32
        %dma_start3A_81 = arith.constant 0 : i32
        %dma_start3A_82 = tpu.memref_slice %arg6[%add3A_80, %dma_start3A_81] : memref<40x128xi32, #tpu.memory_space<vmem>> -> memref<1x128xi32, #tpu.memory_space<vmem>>
        %dma_start3A_83 = tpu.memref_squeeze %dma_start3A_82 : memref<1x128xi32, #tpu.memory_space<vmem>> -> memref<128xi32, #tpu.memory_space<vmem>>
        %dma_start3A_84 = arith.constant 0 : i32
        %dma_start3A_85 = arith.constant 0 : i32
        %dma_start3A_86 = tpu.memref_slice %arg11[%dma_start3A_84, %dma_start3A_85] : memref<10000x16xf32, #tpu.memory_space<vmem_shared>> -> memref<10000x16xf32, #tpu.memory_space<vmem_shared>>
        tpu.enqueue_indirect_dma source(%dma_start3A_86 : memref<10000x16xf32, #tpu.memory_space<vmem_shared>>) target(%arg9 : memref<128x16xf32, #tpu.memory_space<vmem>>) offsets(%dma_start3A_83 : memref<128xi32, #tpu.memory_space<vmem>>) semaphore(%arg14 : memref<!tpu.dma_semaphore, #tpu.memory_space<semaphore_mem>>)
      } else {
      }
      %dma_wait3A_58 = arith.constant 0 : i32
      %dma_wait3A_59 = tpu.memref_slice %arg6[%add3A_53, %dma_wait3A_58] : memref<40x128xi32, #tpu.memory_space<vmem>> -> memref<1x128xi32, #tpu.memory_space<vmem>>
      %dma_wait3A_60 = tpu.memref_squeeze %dma_wait3A_59 : memref<1x128xi32, #tpu.memory_space<vmem>> -> memref<128xi32, #tpu.memory_space<vmem>>
      %dma_wait3A_61 = arith.constant 0 : i32
      %dma_wait3A_62 = arith.constant 0 : i32
      %dma_wait3A_63 = tpu.memref_slice %arg11[%dma_wait3A_61, %dma_wait3A_62] : memref<10000x16xf32, #tpu.memory_space<vmem_shared>> -> memref<10000x16xf32, #tpu.memory_space<vmem_shared>>
      tpu.wait_indirect_dma semaphore(%arg13 : memref<!tpu.dma_semaphore, #tpu.memory_space<semaphore_mem>>) src(%dma_wait3A_63 : memref<10000x16xf32, #tpu.memory_space<vmem_shared>>) dst(%arg8 : memref<128x16xf32, #tpu.memory_space<vmem>>)
      "tpu.region"() ({
        %run_scoped3A = tpu.sem_alloc : memref<!tpu.dma_semaphore, #tpu.memory_space<semaphore_mem>>
        %dma_start3A_79 = arith.constant 0 : i32
        %dma_start3A_80 = tpu.memref_slice %arg7[%add3A_53, %dma_start3A_79] : memref<40x128xi32, #tpu.memory_space<vmem>> -> memref<1x128xi32, #tpu.memory_space<vmem>>
        %dma_start3A_81 = tpu.memref_squeeze %dma_start3A_80 : memref<1x128xi32, #tpu.memory_space<vmem>> -> memref<128xi32, #tpu.memory_space<vmem>>
        %dma_start3A_82 = arith.constant 0 : i32
        %dma_start3A_83 = arith.constant 0 : i32
        %dma_start3A_84 = tpu.memref_slice %arg12[%dma_start3A_82, %dma_start3A_83] : memref<10112x16xf32, #tpu.memory_space<vmem_shared>> -> memref<10112x16xf32, #tpu.memory_space<vmem_shared>>
        tpu.enqueue_indirect_dma source(%arg8 : memref<128x16xf32, #tpu.memory_space<vmem>>) target(%dma_start3A_84 : memref<10112x16xf32, #tpu.memory_space<vmem_shared>>) offsets(%dma_start3A_81 : memref<128xi32, #tpu.memory_space<vmem>>) semaphore(%run_scoped3A : memref<!tpu.dma_semaphore, #tpu.memory_space<semaphore_mem>>) {add = true}
        %dma_wait3A_85 = arith.constant 0 : i32
        %dma_wait3A_86 = tpu.memref_slice %arg7[%add3A_53, %dma_wait3A_85] : memref<40x128xi32, #tpu.memory_space<vmem>> -> memref<1x128xi32, #tpu.memory_space<vmem>>
        %dma_wait3A_87 = tpu.memref_squeeze %dma_wait3A_86 : memref<1x128xi32, #tpu.memory_space<vmem>> -> memref<128xi32, #tpu.memory_space<vmem>>
        %dma_wait3A_88 = arith.constant 0 : i32
        %dma_wait3A_89 = arith.constant 0 : i32
        %dma_wait3A_90 = tpu.memref_slice %arg12[%dma_wait3A_88, %dma_wait3A_89] : memref<10112x16xf32, #tpu.memory_space<vmem_shared>> -> memref<10112x16xf32, #tpu.memory_space<vmem_shared>>
        tpu.wait_indirect_dma semaphore(%run_scoped3A : memref<!tpu.dma_semaphore, #tpu.memory_space<semaphore_mem>>) src(%arg8 : memref<128x16xf32, #tpu.memory_space<vmem>>) dst(%dma_wait3A_90 : memref<10112x16xf32, #tpu.memory_space<vmem_shared>>)
        tpu.yield
      }) : () -> ()
      %add3A_64 = arith.constant 1 : i32
      %add3A_65 = arith.addi %add3A_51, %add3A_64 : i32
      %add3A_66 = arith.constant 1 : i32
      %add3A_67 = arith.addi %add3A_65, %add3A_66 : i32
      %lt3A_68 = arith.constant 40 : i32
      %lt3A_69 = arith.cmpi slt, %add3A_67, %lt3A_68 : i32
      %convert_element_type3A_70 = arith.extui %lt3A_69 : i1 to i32
      %cond3A_71 = arith.constant 0 : i32
      %cond3A_72 = arith.cmpi ne, %convert_element_type3A_70, %cond3A_71 : i32
      scf.if %cond3A_72 {
        %add3A_79 = arith.constant 1 : i32
        %add3A_80 = arith.addi %add3A_65, %add3A_79 : i32
        %dma_start3A_81 = arith.constant 0 : i32
        %dma_start3A_82 = tpu.memref_slice %arg6[%add3A_80, %dma_start3A_81] : memref<40x128xi32, #tpu.memory_space<vmem>> -> memref<1x128xi32, #tpu.memory_space<vmem>>
        %dma_start3A_83 = tpu.memref_squeeze %dma_start3A_82 : memref<1x128xi32, #tpu.memory_space<vmem>> -> memref<128xi32, #tpu.memory_space<vmem>>
        %dma_start3A_84 = arith.constant 0 : i32
        %dma_start3A_85 = arith.constant 0 : i32
        %dma_start3A_86 = tpu.memref_slice %arg11[%dma_start3A_84, %dma_start3A_85] : memref<10000x16xf32, #tpu.memory_space<vmem_shared>> -> memref<10000x16xf32, #tpu.memory_space<vmem_shared>>
        tpu.enqueue_indirect_dma source(%dma_start3A_86 : memref<10000x16xf32, #tpu.memory_space<vmem_shared>>) target(%arg8 : memref<128x16xf32, #tpu.memory_space<vmem>>) offsets(%dma_start3A_83 : memref<128xi32, #tpu.memory_space<vmem>>) semaphore(%arg13 : memref<!tpu.dma_semaphore, #tpu.memory_space<semaphore_mem>>)
      } else {
      }
      %dma_wait3A_73 = arith.constant 0 : i32
      %dma_wait3A_74 = tpu.memref_slice %arg6[%add3A_65, %dma_wait3A_73] : memref<40x128xi32, #tpu.memory_space<vmem>> -> memref<1x128xi32, #tpu.memory_space<vmem>>
      %dma_wait3A_75 = tpu.memref_squeeze %dma_wait3A_74 : memref<1x128xi32, #tpu.memory_space<vmem>> -> memref<128xi32, #tpu.memory_space<vmem>>
      %dma_wait3A_76 = arith.constant 0 : i32
      %dma_wait3A_77 = arith.constant 0 : i32
      %dma_wait3A_78 = tpu.memref_slice %arg11[%dma_wait3A_76, %dma_wait3A_77] : memref<10000x16xf32, #tpu.memory_space<vmem_shared>> -> memref<10000x16xf32, #tpu.memory_space<vmem_shared>>
      tpu.wait_indirect_dma semaphore(%arg14 : memref<!tpu.dma_semaphore, #tpu.memory_space<semaphore_mem>>) src(%dma_wait3A_78 : memref<10000x16xf32, #tpu.memory_space<vmem_shared>>) dst(%arg9 : memref<128x16xf32, #tpu.memory_space<vmem>>)
      "tpu.region"() ({
        %run_scoped3A = tpu.sem_alloc : memref<!tpu.dma_semaphore, #tpu.memory_space<semaphore_mem>>
        %dma_start3A_79 = arith.constant 0 : i32
        %dma_start3A_80 = tpu.memref_slice %arg7[%add3A_65, %dma_start3A_79] : memref<40x128xi32, #tpu.memory_space<vmem>> -> memref<1x128xi32, #tpu.memory_space<vmem>>
        %dma_start3A_81 = tpu.memref_squeeze %dma_start3A_80 : memref<1x128xi32, #tpu.memory_space<vmem>> -> memref<128xi32, #tpu.memory_space<vmem>>
        %dma_start3A_82 = arith.constant 0 : i32
        %dma_start3A_83 = arith.constant 0 : i32
        %dma_start3A_84 = tpu.memref_slice %arg12[%dma_start3A_82, %dma_start3A_83] : memref<10112x16xf32, #tpu.memory_space<vmem_shared>> -> memref<10112x16xf32, #tpu.memory_space<vmem_shared>>
        tpu.enqueue_indirect_dma source(%arg9 : memref<128x16xf32, #tpu.memory_space<vmem>>) target(%dma_start3A_84 : memref<10112x16xf32, #tpu.memory_space<vmem_shared>>) offsets(%dma_start3A_81 : memref<128xi32, #tpu.memory_space<vmem>>) semaphore(%run_scoped3A : memref<!tpu.dma_semaphore, #tpu.memory_space<semaphore_mem>>) {add = true}
        %dma_wait3A_85 = arith.constant 0 : i32
        %dma_wait3A_86 = tpu.memref_slice %arg7[%add3A_65, %dma_wait3A_85] : memref<40x128xi32, #tpu.memory_space<vmem>> -> memref<1x128xi32, #tpu.memory_space<vmem>>
        %dma_wait3A_87 = tpu.memref_squeeze %dma_wait3A_86 : memref<1x128xi32, #tpu.memory_space<vmem>> -> memref<128xi32, #tpu.memory_space<vmem>>
        %dma_wait3A_88 = arith.constant 0 : i32
        %dma_wait3A_89 = arith.constant 0 : i32
        %dma_wait3A_90 = tpu.memref_slice %arg12[%dma_wait3A_88, %dma_wait3A_89] : memref<10112x16xf32, #tpu.memory_space<vmem_shared>> -> memref<10112x16xf32, #tpu.memory_space<vmem_shared>>
        tpu.wait_indirect_dma semaphore(%run_scoped3A : memref<!tpu.dma_semaphore, #tpu.memory_space<semaphore_mem>>) src(%arg9 : memref<128x16xf32, #tpu.memory_space<vmem>>) dst(%dma_wait3A_90 : memref<10112x16xf32, #tpu.memory_space<vmem_shared>>)
        tpu.yield
      }) : () -> ()
    }
    %scan3A_45 = arith.constant 20 : i32
    %barrier3A_46 = arith.constant 0 : index
    tpu.barrier barrier_id(%barrier3A_46)
    "tpu.region"() ({
      %run_scoped3A = tpu.sem_alloc : memref<!tpu.dma_semaphore, #tpu.memory_space<semaphore_mem>>
      %dma_start3A_47 = arith.constant 0 : i32
      %dma_start3A_48 = tpu.memref_slice %arg12[%mul3A_22, %dma_start3A_47] : memref<10112x16xf32, #tpu.memory_space<vmem_shared>> -> memref<632x16xf32, #tpu.memory_space<vmem_shared>>
      %dma_start3A_49 = arith.constant 0 : i32
      %dma_start3A_50 = tpu.memref_slice %arg12[%mul3A_22, %dma_start3A_49] : memref<10112x16xf32, #tpu.memory_space<vmem_shared>> -> memref<632x16xf32, #tpu.memory_space<vmem_shared>>
      tpu.enqueue_dma source(%dma_start3A_50 : memref<632x16xf32, #tpu.memory_space<vmem_shared>>) target(%arg10 : memref<632x16xf32, #tpu.memory_space<vmem>>) target_semaphore(%run_scoped3A : memref<!tpu.dma_semaphore, #tpu.memory_space<semaphore_mem>>)
      %dma_wait3A_51 = arith.constant 0 : i32
      %dma_wait3A_52 = tpu.memref_slice %arg12[%mul3A_22, %dma_wait3A_51] : memref<10112x16xf32, #tpu.memory_space<vmem_shared>> -> memref<632x16xf32, #tpu.memory_space<vmem_shared>>
      %dma_wait3A_53 = arith.constant 0 : i32
      %dma_wait3A_54 = tpu.memref_slice %arg12[%mul3A_22, %dma_wait3A_53] : memref<10112x16xf32, #tpu.memory_space<vmem_shared>> -> memref<632x16xf32, #tpu.memory_space<vmem_shared>>
      tpu.wait_dma2 semaphore(%run_scoped3A : memref<!tpu.dma_semaphore, #tpu.memory_space<semaphore_mem>>) src(%dma_wait3A_54 : memref<632x16xf32, #tpu.memory_space<vmem_shared>>) dst(%arg10 : memref<632x16xf32, #tpu.memory_space<vmem>>)
      tpu.yield
    }) : () -> ()
    "tpu.region"() ({
      %run_scoped3A = tpu.sem_alloc : memref<!tpu.dma_semaphore, #tpu.memory_space<semaphore_mem>>
      %dma_start3A_47 = arith.constant 0 : i32
      %dma_start3A_48 = arith.constant 0 : i32
      %dma_start3A_49 = tpu.memref_slice %arg5[%arg0, %dma_start3A_47, %dma_start3A_48] : memref<2x10112x16xf32, #tpu.memory_space<hbm>> -> memref<1x10112x16xf32, #tpu.memory_space<hbm>>
      %dma_start3A_50 = tpu.memref_squeeze %dma_start3A_49 : memref<1x10112x16xf32, #tpu.memory_space<hbm>> -> memref<10112x16xf32, #tpu.memory_space<hbm>>
      %dma_start3A_51 = arith.constant 0 : i32
      %dma_start3A_52 = tpu.memref_slice %dma_start3A_50[%mul3A_22, %dma_start3A_51] : memref<10112x16xf32, #tpu.memory_space<hbm>> -> memref<632x16xf32, #tpu.memory_space<hbm>>
      %dma_start3A_53 = arith.constant 0 : i32
      %dma_start3A_54 = arith.constant 0 : i32
      %dma_start3A_55 = tpu.memref_slice %arg5[%arg0, %dma_start3A_53, %dma_start3A_54] : memref<2x10112x16xf32, #tpu.memory_space<hbm>> -> memref<1x10112x16xf32, #tpu.memory_space<hbm>>
      %dma_start3A_56 = tpu.memref_squeeze %dma_start3A_55 : memref<1x10112x16xf32, #tpu.memory_space<hbm>> -> memref<10112x16xf32, #tpu.memory_space<hbm>>
      %dma_start3A_57 = arith.constant 0 : i32
      %dma_start3A_58 = tpu.memref_slice %dma_start3A_56[%mul3A_22, %dma_start3A_57] : memref<10112x16xf32, #tpu.memory_space<hbm>> -> memref<632x16xf32, #tpu.memory_space<hbm>>
      tpu.enqueue_dma source(%arg10 : memref<632x16xf32, #tpu.memory_space<vmem>>) target(%dma_start3A_58 : memref<632x16xf32, #tpu.memory_space<hbm>>) target_semaphore(%run_scoped3A : memref<!tpu.dma_semaphore, #tpu.memory_space<semaphore_mem>>)
      %dma_wait3A_59 = arith.constant 0 : i32
      %dma_wait3A_60 = arith.constant 0 : i32
      %dma_wait3A_61 = tpu.memref_slice %arg5[%arg0, %dma_wait3A_59, %dma_wait3A_60] : memref<2x10112x16xf32, #tpu.memory_space<hbm>> -> memref<1x10112x16xf32, #tpu.memory_space<hbm>>
      %dma_wait3A_62 = tpu.memref_squeeze %dma_wait3A_61 : memref<1x10112x16xf32, #tpu.memory_space<hbm>> -> memref<10112x16xf32, #tpu.memory_space<hbm>>
      %dma_wait3A_63 = arith.constant 0 : i32
      %dma_wait3A_64 = tpu.memref_slice %dma_wait3A_62[%mul3A_22, %dma_wait3A_63] : memref<10112x16xf32, #tpu.memory_space<hbm>> -> memref<632x16xf32, #tpu.memory_space<hbm>>
      %dma_wait3A_65 = arith.constant 0 : i32
      %dma_wait3A_66 = arith.constant 0 : i32
      %dma_wait3A_67 = tpu.memref_slice %arg5[%arg0, %dma_wait3A_65, %dma_wait3A_66] : memref<2x10112x16xf32, #tpu.memory_space<hbm>> -> memref<1x10112x16xf32, #tpu.memory_space<hbm>>
      %dma_wait3A_68 = tpu.memref_squeeze %dma_wait3A_67 : memref<1x10112x16xf32, #tpu.memory_space<hbm>> -> memref<10112x16xf32, #tpu.memory_space<hbm>>
      %dma_wait3A_69 = arith.constant 0 : i32
      %dma_wait3A_70 = tpu.memref_slice %dma_wait3A_68[%mul3A_22, %dma_wait3A_69] : memref<10112x16xf32, #tpu.memory_space<hbm>> -> memref<632x16xf32, #tpu.memory_space<hbm>>
      tpu.wait_dma2 semaphore(%run_scoped3A : memref<!tpu.dma_semaphore, #tpu.memory_space<semaphore_mem>>) src(%arg10 : memref<632x16xf32, #tpu.memory_space<vmem>>) dst(%dma_wait3A_70 : memref<632x16xf32, #tpu.memory_space<hbm>>)
      tpu.yield
    }) : () -> ()
    return
  }
}

module attributes {stable_mosaic.version = 14 : i64} {
  func.func @body(%arg0: i32, %arg1: memref<1000x256xf32, #tpu.memory_space<vmem>>, %arg2: memref<256x16xf32, #tpu.memory_space<vmem>>, %arg3: memref<1x16xf32, #tpu.memory_space<vmem>>, %arg4: memref<1000x16xf32, #tpu.memory_space<vmem>>) attributes {dimension_semantics = [#tpu.dimension_semantics<arbitrary>], iteration_bounds = array<i64: 10>, scalar_prefetch = 0 : i64, scratch_operands = 0 : i64, tpu.core_type = #tpu.core_type<tc>, window_params = [{transform_indices = @transform_0, window_bounds = array<i64: 1000, 256>}, {pipeline_mode = #tpu.pipeline_mode<synchronous>, transform_indices = @transform_1, window_bounds = array<i64: 256, 16>}, {pipeline_mode = #tpu.pipeline_mode<synchronous>, transform_indices = @transform_2, window_bounds = array<i64: 1, 16>}, {transform_indices = @transform_3, window_bounds = array<i64: 1000, 16>}]} {
    %get3A = arith.constant 0 : index
    %get3A_0 = arith.constant 0 : index
    %get3A_1 = vector.load %arg1[%get3A, %get3A_0] : memref<1000x256xf32, #tpu.memory_space<vmem>>, vector<1000x256xf32>
    %get3A_2 = arith.constant 0 : index
    %get3A_3 = arith.constant 0 : index
    %get3A_4 = vector.load %arg2[%get3A_2, %get3A_3] : memref<256x16xf32, #tpu.memory_space<vmem>>, vector<256x16xf32>
    %dot_general3A = arith.constant dense<0.000000e+00> : vector<1000x16xf32>
    %dot_general3A_5 = tpu.matmul %get3A_1, %get3A_4, %dot_general3A {dimension_numbers = #tpu.dot_dimension_numbers<[1], [0], [0], [1], [0, 0, 1, 1], [], []>, transpose_lhs_hint = false} : vector<1000x256xf32>, vector<256x16xf32>, vector<1000x16xf32> -> vector<1000x16xf32>
    %get3A_6 = arith.constant 0 : index
    %get3A_7 = arith.constant 0 : index
    %get3A_8 = vector.load %arg3[%get3A_6, %get3A_7] : memref<1x16xf32, #tpu.memory_space<vmem>>, vector<1x16xf32>
    %add3A = vector.broadcast %get3A_8 : vector<1x16xf32> to vector<1000x16xf32>
    %add3A_9 = arith.addf %dot_general3A_5, %add3A : vector<1000x16xf32>
    %max3A = arith.constant 0.000000e+00 : f32
    %max3A_10 = vector.broadcast %max3A : f32 to vector<1000x16xf32>
    %max3A_11 = arith.maximumf %add3A_9, %max3A_10 : vector<1000x16xf32>
    %swap3A = arith.constant 0 : index
    %swap3A_12 = arith.constant 0 : index
    %swap3A_13 = vector.load %arg4[%swap3A, %swap3A_12] : memref<1000x16xf32, #tpu.memory_space<vmem>>, vector<1000x16xf32>
    tpu.vector_store %arg4[%swap3A, %swap3A_12], %max3A_11 {strides = array<i32>} : memref<1000x16xf32, #tpu.memory_space<vmem>>, vector<1000x16xf32>,
    return
  }
  func.func @transform_0(%arg0: i32) -> (i32, i32) {
    %c0_i32 = arith.constant 0 : i32
    %c0_i32_0 = arith.constant 0 : i32
    return %arg0, %c0_i32 : i32, i32
  }
  func.func @transform_1(%arg0: i32) -> (i32, i32) {
    %c0_i32 = arith.constant 0 : i32
    %c0_i32_0 = arith.constant 0 : i32
    %c0_i32_1 = arith.constant 0 : i32
    return %c0_i32, %c0_i32_0 : i32, i32
  }
  func.func @transform_2(%arg0: i32) -> (i32, i32) {
    %c0_i32 = arith.constant 0 : i32
    %c0_i32_0 = arith.constant 0 : i32
    %c0_i32_1 = arith.constant 0 : i32
    return %c0_i32, %c0_i32_0 : i32, i32
  }
  func.func @transform_3(%arg0: i32) -> (i32, i32) {
    %c0_i32 = arith.constant 0 : i32
    %c0_i32_0 = arith.constant 0 : i32
    return %arg0, %c0_i32 : i32, i32
  }
}

module attributes {stable_mosaic.version = 14 : i64} {
  func.func @body(%arg0: memref<10000x16xf32, #tpu.memory_space<vmem>>, %arg1: memref<2x10112x16xf32, #tpu.memory_space<vmem>>, %arg2: memref<16x1xf32, #tpu.memory_space<vmem>>, %arg3: memref<1x1xf32, #tpu.memory_space<vmem>>, %arg4: memref<16x128xf32, #tpu.memory_space<vmem>>, %arg5: memref<1x128xf32, #tpu.memory_space<vmem>>, %arg6: memref<128x3xf32, #tpu.memory_space<vmem>>, %arg7: memref<1x3xf32, #tpu.memory_space<vmem>>, %arg8: memref<16x16xf32, #tpu.memory_space<vmem>>, %arg9: memref<1x16xf32, #tpu.memory_space<vmem>>, %arg10: memref<16x1xf32, #tpu.memory_space<vmem>>, %arg11: memref<1x1xf32, #tpu.memory_space<vmem>>, %arg12: memref<1x3xf32, #tpu.memory_space<vmem>>, %arg13: memref<1x1xf32, #tpu.memory_space<vmem>>) attributes {dimension_semantics = [], scalar_prefetch = 0 : i64, scratch_operands = 0 : i64, tpu.core_type = #tpu.core_type<tc>} {
    %get3A = arith.constant 0 : index
    %get3A_0 = arith.constant 0 : index
    %get3A_1 = vector.load %arg0[%get3A, %get3A_0] : memref<10000x16xf32, #tpu.memory_space<vmem>>, vector<10000x16xf32>
    %get3A_2 = arith.constant 0 : index
    %get3A_3 = arith.constant 0 : index
    %get3A_4 = arith.constant 0 : index
    %get3A_5 = vector.load %arg1[%get3A_2, %get3A_3, %get3A_4] : memref<2x10112x16xf32, #tpu.memory_space<vmem>>, vector<1x10000x16xf32>
    %get3A_6 = vector.shape_cast %get3A_5 : vector<1x10000x16xf32> to vector<10000x16xf32>
    %get3A_7 = arith.constant 1 : index
    %get3A_8 = arith.constant 0 : index
    %get3A_9 = arith.constant 0 : index
    %get3A_10 = vector.load %arg1[%get3A_7, %get3A_8, %get3A_9] : memref<2x10112x16xf32, #tpu.memory_space<vmem>>, vector<1x10000x16xf32>
    %get3A_11 = vector.shape_cast %get3A_10 : vector<1x10000x16xf32> to vector<10000x16xf32>
    %add3A = arith.addf %get3A_6, %get3A_11 : vector<10000x16xf32>
    %get3A_12 = arith.constant 0 : index
    %get3A_13 = arith.constant 0 : index
    %get3A_14 = vector.load %arg2[%get3A_12, %get3A_13] : memref<16x1xf32, #tpu.memory_space<vmem>>, vector<16x1xf32>
    %get3A_15 = arith.constant 0 : index
    %get3A_16 = arith.constant 0 : index
    %get3A_17 = vector.load %arg3[%get3A_15, %get3A_16] : memref<1x1xf32, #tpu.memory_space<vmem>>, vector<1x1xf32>
    %get3A_18 = vector.extract %get3A_17[0, 0] : f32 from vector<1x1xf32>
    %dot_general3A = arith.constant dense<0.000000e+00> : vector<10000x1xf32>
    %dot_general3A_19 = tpu.matmul %get3A_1, %get3A_14, %dot_general3A {dimension_numbers = #tpu.dot_dimension_numbers<[1], [0], [0], [1], [0, 0, 1, 1], [], []>, transpose_lhs_hint = false} : vector<10000x16xf32>, vector<16x1xf32>, vector<10000x1xf32> -> vector<10000x1xf32>
    %add3A_20 = vector.broadcast %get3A_18 : f32 to vector<10000x1xf32>
    %add3A_21 = arith.addf %dot_general3A_19, %add3A_20 : vector<10000x1xf32>
    %mul3A = arith.constant 1.000000e+01 : f32
    %mul3A_22 = vector.broadcast %mul3A : f32 to vector<10000x1xf32>
    %mul3A_23 = arith.mulf %mul3A_22, %add3A_21 : vector<10000x1xf32>
    %mul3A_24 = vector.broadcast %mul3A_23 : vector<10000x1xf32> to vector<10000x16xf32>
    %mul3A_25 = arith.mulf %mul3A_24, %add3A : vector<10000x16xf32>
    %add3A_26 = arith.addf %get3A_1, %mul3A_25 : vector<10000x16xf32>
    %dot_general3A_27 = arith.constant dense<0.000000e+00> : vector<10000x1xf32>
    %dot_general3A_28 = tpu.matmul %add3A_26, %get3A_14, %dot_general3A_27 {dimension_numbers = #tpu.dot_dimension_numbers<[1], [0], [0], [1], [0, 0, 1, 1], [], []>, transpose_lhs_hint = false} : vector<10000x16xf32>, vector<16x1xf32>, vector<10000x1xf32> -> vector<10000x1xf32>
    %add3A_29 = vector.broadcast %get3A_18 : f32 to vector<10000x1xf32>
    %add3A_30 = arith.addf %dot_general3A_28, %add3A_29 : vector<10000x1xf32>
    %reduce_max3A = vector.shape_cast %add3A_30 : vector<10000x1xf32> to vector<1x10000x1xf32>
    %reduce_max3A_31 = arith.constant dense<0xFF800000> : vector<1xf32>
    %reduce_max3A_32 = vector.multi_reduction <maximumf>, %reduce_max3A, %reduce_max3A_31 [1, 2] : vector<1x10000x1xf32> to vector<1xf32>
    %reduce_max3A_33 = vector.shape_cast %reduce_max3A_32 : vector<1xf32> to vector<1x1x1xf32>
    %reduce_max3A_34 = vector.extract %reduce_max3A_33[0, 0, 0] : f32 from vector<1x1x1xf32>
    %sub3A = vector.broadcast %reduce_max3A_34 : f32 to vector<10000x1xf32>
    %sub3A_35 = arith.subf %add3A_30, %sub3A : vector<10000x1xf32>
    %exp3A = math.exp %sub3A_35 : vector<10000x1xf32>
    %reduce_sum3A = vector.shape_cast %exp3A : vector<10000x1xf32> to vector<1x10000x1xf32>
    %reduce_sum3A_36 = arith.constant dense<0.000000e+00> : vector<1xf32>
    %reduce_sum3A_37 = vector.multi_reduction <add>, %reduce_sum3A, %reduce_sum3A_36 [1, 2] : vector<1x10000x1xf32> to vector<1xf32>
    %reduce_sum3A_38 = vector.shape_cast %reduce_sum3A_37 : vector<1xf32> to vector<1x1x1xf32>
    %reduce_sum3A_39 = vector.extract %reduce_sum3A_38[0, 0, 0] : f32 from vector<1x1x1xf32>
    %mul3A_40 = vector.broadcast %exp3A : vector<10000x1xf32> to vector<10000x16xf32>
    %mul3A_41 = arith.mulf %add3A_26, %mul3A_40 : vector<10000x16xf32>
    %reduce_sum3A_42 = arith.constant dense<0.000000e+00> : vector<16xf32>
    %reduce_sum3A_43 = vector.multi_reduction <add>, %mul3A_41, %reduce_sum3A_42 [0] : vector<10000x16xf32> to vector<16xf32>
    %broadcast_in_dim3A = vector.shape_cast %reduce_sum3A_43 : vector<16xf32> to vector<1x16xf32>
    %div3A = vector.broadcast %reduce_sum3A_39 : f32 to vector<1x16xf32>
    %div3A_44 = arith.divf %broadcast_in_dim3A, %div3A : vector<1x16xf32>
    %get3A_45 = arith.constant 0 : index
    %get3A_46 = arith.constant 0 : index
    %get3A_47 = vector.load %arg4[%get3A_45, %get3A_46] : memref<16x128xf32, #tpu.memory_space<vmem>>, vector<16x128xf32>
    %dot_general3A_48 = arith.constant dense<0.000000e+00> : vector<1x128xf32>
    %dot_general3A_49 = tpu.matmul %div3A_44, %get3A_47, %dot_general3A_48 {dimension_numbers = #tpu.dot_dimension_numbers<[1], [0], [0], [1], [0, 0, 1, 1], [], []>, transpose_lhs_hint = false} : vector<1x16xf32>, vector<16x128xf32>, vector<1x128xf32> -> vector<1x128xf32>
    %get3A_50 = arith.constant 0 : index
    %get3A_51 = arith.constant 0 : index
    %get3A_52 = vector.load %arg5[%get3A_50, %get3A_51] : memref<1x128xf32, #tpu.memory_space<vmem>>, vector<1x128xf32>
    %add3A_53 = arith.addf %dot_general3A_49, %get3A_52 : vector<1x128xf32>
    %max3A = arith.constant 0.000000e+00 : f32
    %max3A_54 = vector.broadcast %max3A : f32 to vector<1x128xf32>
    %max3A_55 = arith.maximumf %add3A_53, %max3A_54 : vector<1x128xf32>
    %get3A_56 = arith.constant 0 : index
    %get3A_57 = arith.constant 0 : index
    %get3A_58 = vector.load %arg6[%get3A_56, %get3A_57] : memref<128x3xf32, #tpu.memory_space<vmem>>, vector<128x3xf32>
    %dot_general3A_59 = arith.constant dense<0.000000e+00> : vector<1x3xf32>
    %dot_general3A_60 = tpu.matmul %max3A_55, %get3A_58, %dot_general3A_59 {dimension_numbers = #tpu.dot_dimension_numbers<[1], [0], [0], [1], [0, 0, 1, 1], [], []>, transpose_lhs_hint = false} : vector<1x128xf32>, vector<128x3xf32>, vector<1x3xf32> -> vector<1x3xf32>
    %get3A_61 = arith.constant 0 : index
    %get3A_62 = arith.constant 0 : index
    %get3A_63 = vector.load %arg7[%get3A_61, %get3A_62] : memref<1x3xf32, #tpu.memory_space<vmem>>, vector<1x3xf32>
    %add3A_64 = arith.addf %dot_general3A_60, %get3A_63 : vector<1x3xf32>
    %swap3A = arith.constant 0 : index
    %swap3A_65 = arith.constant 0 : index
    %swap3A_66 = vector.load %arg12[%swap3A, %swap3A_65] : memref<1x3xf32, #tpu.memory_space<vmem>>, vector<1x3xf32>
    tpu.vector_store %arg12[%swap3A, %swap3A_65], %add3A_64 {strides = array<i32>} : memref<1x3xf32, #tpu.memory_space<vmem>>, vector<1x3xf32>,
    %get3A_67 = arith.constant 0 : index
    %get3A_68 = arith.constant 0 : index
    %get3A_69 = vector.load %arg8[%get3A_67, %get3A_68] : memref<16x16xf32, #tpu.memory_space<vmem>>, vector<16x16xf32>
    %dot_general3A_70 = arith.constant dense<0.000000e+00> : vector<1x16xf32>
    %dot_general3A_71 = tpu.matmul %div3A_44, %get3A_69, %dot_general3A_70 {dimension_numbers = #tpu.dot_dimension_numbers<[1], [0], [0], [1], [0, 0, 1, 1], [], []>, transpose_lhs_hint = false} : vector<1x16xf32>, vector<16x16xf32>, vector<1x16xf32> -> vector<1x16xf32>
    %get3A_72 = arith.constant 0 : index
    %get3A_73 = arith.constant 0 : index
    %get3A_74 = vector.load %arg9[%get3A_72, %get3A_73] : memref<1x16xf32, #tpu.memory_space<vmem>>, vector<1x16xf32>
    %add3A_75 = arith.addf %dot_general3A_71, %get3A_74 : vector<1x16xf32>
    %max3A_76 = arith.constant 0.000000e+00 : f32
    %max3A_77 = vector.broadcast %max3A_76 : f32 to vector<1x16xf32>
    %max3A_78 = arith.maximumf %add3A_75, %max3A_77 : vector<1x16xf32>
    %get3A_79 = arith.constant 0 : index
    %get3A_80 = arith.constant 0 : index
    %get3A_81 = vector.load %arg10[%get3A_79, %get3A_80] : memref<16x1xf32, #tpu.memory_space<vmem>>, vector<16x1xf32>
    %dot_general3A_82 = arith.constant dense<0.000000e+00> : vector<1x1xf32>
    %dot_general3A_83 = tpu.matmul %max3A_78, %get3A_81, %dot_general3A_82 {dimension_numbers = #tpu.dot_dimension_numbers<[1], [0], [0], [1], [0, 0, 1, 1], [], []>, transpose_lhs_hint = false} : vector<1x16xf32>, vector<16x1xf32>, vector<1x1xf32> -> vector<1x1xf32>
    %get3A_84 = arith.constant 0 : index
    %get3A_85 = arith.constant 0 : index
    %get3A_86 = vector.load %arg11[%get3A_84, %get3A_85] : memref<1x1xf32, #tpu.memory_space<vmem>>, vector<1x1xf32>
    %add3A_87 = arith.addf %dot_general3A_83, %get3A_86 : vector<1x1xf32>
    %swap3A_88 = arith.constant 0 : index
    %swap3A_89 = arith.constant 0 : index
    %swap3A_90 = vector.load %arg13[%swap3A_88, %swap3A_89] : memref<1x1xf32, #tpu.memory_space<vmem>>, vector<1x1xf32>
    tpu.vector_store %arg13[%swap3A_88, %swap3A_89], %add3A_87 {strides = array<i32>} : memref<1x1xf32, #tpu.memory_space<vmem>>, vector<1x1xf32>,
    return
  }
}

</mosaic_0001>

<sc_bundles>
// kernel: kernel.5.cloned.1.call-start
scs
__scs_entry_jumppad:
0x0: {  	(pc) =	sbr.rel $0x88, $3  }
0x1: {  	(tag) =	ssettag $0x0;
	lr =	simm.s32 $0x1  }
0x2: {  	[smem:$0x3F92] =	sst lr;
	_ =	strace $0xD0000000  }
0x3: {  	_ = 	snop  }
0x4: {  	_ = 	snop  }
0x5: {  	_ = 	snop  }
0x6: {  	_ = 	snop  }
0x7: {  	_ = 	snop  }
__scs_overlays_trampoline_lowered:
0x8: {  	[smem:$0x3FA1] =	sst s0  }
0x9: {  	[smem:$0x3FA2] =	sst s1  }
0xa: {  	[smem:$0x3FA3] =	sst s2  }
0xb: {  	[smem:$0x3FA4] =	sst s3  }
0xc: {  	[smem:$0x3FA5] =	sst s4  }
0xd: {  	[smem:$0x3FA6] =	sst s5  }
0xe: {  	[smem:$0x3FA7] =	sst s6  }
0xf: {  	[smem:$0x3FA8] =	sst s7  }
0x10: {  	[smem:$0x3FA9] =	sst s8  }
0x11: {  	[smem:$0x3FAA] =	sst s9;
	s0 =	simm.s32 @!p0 $0x0  }
0x12: {  	s1 =	sld [smem:$0x3F90];
	s0 =	simm.s32 @p0 $0x1  }
0x13: {  	[smem:$0x3FAB] =	sst s0;
	s0 =	simm.s32 @!p1 $0x0  }
0x14: {  	s2 =	sld [smem:$0x3F8F];
	s0 =	simm.s32 @p1 $0x1  }
0x15: {  	[smem:$0x3FAC] =	sst s0;
	s0 =	simm.s32 @!p2 $0x0  }
0x16: {  	s3 =	sld [smem:$0x3FDB];
	s0 =	simm.s32 @p2 $0x1  }
0x17: {  	s4 =	simm.s32 $0x1BF5;
	[smem:$0x3FAE] =	sst s0  }
0x18: {  	s0 =	sld [smem:$0x3F91];
	_ =	swait.ge [sflag:s4], $0x0  }
0x19: {  	s7 =	sld [smem:$0x3F92]  }
0x1a: {  	s8 =	sadd.s32 $0xFFFFE003, lr  }
0x1b: {  	s9 =	sadd.s32 $0xFFFFFEF7, lr;
	s5 =	simm.s32 $0xFFFFFFFF;
	p2 =	slt.u32 s8, $0xFFFFF086  }
0x1c: {  	p1 =	slt.u32 s9, $0xF7A;
	s5 =	simm.s32 @!p2 $0x0  }
0x1d: {  	s5 =	simm.s32 @p1 $0x1;
	p0 =	seq.s32 s7, s2  }
0x1e: {  	s7 =	smul.u32 @!p0 $0xF7A, s2;
	p2 =	seq.s32 @!p0 s5, $0x0  }
0x1f: {  	s9 =	smul.u32 $0xF7A, s1;
	s8 =	simm.s32 @!p0 $0x1BF5;
	p2 =	por !p2, p0  }
0x20: {  	[sflag:s8] =	ssyncset.s32 @!p0 $0xFFFFF086;
	s6 =	sadd.s32 @!p0 s3, s7;
	s7 =	simm.s32 @!p0 $0x108  }
0x21: {  	s3 =	sadd.s32 s3, s9;
	s6 =	sadd.s32 @!p0 $0x88, s6;
	s7 =	simm.s32 @p2 $0x1082  }
0x22: {  	[simem:s7], [sflag:s8] =	dma.local @!p0 [hbm:s6], $0xF7A  }
0x23: {  	s9 =	sor.u32 $0xD0000000, s2;
	s6 =	simm.s32 $0x108;
	_ =	swait.ge @!p0 [sflag:s8], $0x0  }
0x24: {  	s3 =	sadd.s32 $0x88, s3;
	s6 =	simm.s32 @!p1 $0x1082;
	[sflag:s4] =	ssyncset.s32 $0xFFFFF086  }
0x25: {  	[simem:s6], [sflag:s4] =	dma.local [hbm:s3], $0xF7A  }
0x26: {  	[smem:$0x3F92] =	sst s1;
	(tag) =	ssettag s2;
	_ =	strace s9  }
0x27: {  	s1 =	sld [smem:$0x3FA2]  }
0x28: {  	s2 =	sld [smem:$0x3FA3]  }
0x29: {  	s4 =	sld [smem:$0x3FA5]  }
0x2a: {  	p0 =	seq.s32 s5, $0x0;
	s5 =	sld [smem:$0x3FA6]  }
0x2b: {  	s6 =	sld [smem:$0x3FA7]  }
0x2c: {  	s7 =	sld [smem:$0x3FA8]  }
0x2d: {  	s3 =	simm.s32 $0x108;
	s8 =	sld [smem:$0x3FA9]  }
0x2e: {  	s3 =	simm.s32 @!p0 $0x1082;
	s9 =	sld [smem:$0x3FAA]  }
0x2f: {  	lr =	sadd.s32 s0, s3;
	s0 =	sld [smem:$0x3FA1]  }
0x30: {  	s3 =	sld [smem:$0x3FA4]  }
0x31: {  	[smem:$0x3FAD] =	sst s10  }
0x32: {  	s10 =	sld [smem:$0x3FAB];
	_ =	sdelay $0x3  }
0x33: {  	p0 =	seq.s32 s10, $0x1;
	s10 =	sld [smem:$0x3FAD];
	_ =	sdelay $0x3  }
0x34: {  	[smem:$0x3FAD] =	sst s10  }
0x35: {  	s10 =	sld [smem:$0x3FAC];
	_ =	sdelay $0x3  }
0x36: {  	p1 =	seq.s32 s10, $0x1;
	s10 =	sld [smem:$0x3FAD];
	_ =	sdelay $0x3  }
0x37: {  	[smem:$0x3FAD] =	sst s10  }
0x38: {  	s10 =	sld [smem:$0x3FAE]  }
0x39: {  	_ = 	snop;
	(pc) =	sbr.ind lr, $3  }
0x3a: {  	_ = 	snop  }
0x3b: {  	_ = 	snop  }
0x3c: {  	p2 =	seq.s32 s10, $0x1;
	s10 =	sld [smem:$0x3FAD]  }
0x3d: {  	_ =	shalt  }
0x3e: {  	_ =	shalt  }
0x3f: {  	_ =	shalt  }
0x40: {  	_ =	shalt  }
0x41: {  	_ =	shalt  }
0x42: {  	_ =	shalt  }
0x43: {  	_ =	shalt  }
0x44: {  	_ =	shalt  }
0x45: {  	_ =	shalt  }
0x46: {  	_ =	shalt  }
0x47: {  	_ =	shalt  }
0x48: {  	_ =	shalt  }
0x49: {  	_ =	shalt  }
0x4a: {  	_ =	shalt  }
0x4b: {  	_ =	shalt  }
0x4c: {  	_ =	shalt  }
0x4d: {  	_ =	shalt  }
0x4e: {  	_ =	shalt  }
0x4f: {  	_ =	shalt  }
0x50: {  	_ =	shalt  }
0x51: {  	_ =	shalt  }
0x52: {  	_ =	shalt  }
0x53: {  	_ =	shalt  }
0x54: {  	_ =	shalt  }
0x55: {  	_ =	shalt  }
0x56: {  	_ =	shalt  }
0x57: {  	_ =	shalt  }
0x58: {  	_ =	shalt  }
0x59: {  	_ =	shalt  }
0x5a: {  	_ =	shalt  }
0x5b: {  	_ =	shalt  }
0x5c: {  	_ =	shalt  }
0x5d: {  	_ =	shalt  }
0x5e: {  	_ =	shalt  }
0x5f: {  	_ =	shalt  }
0x60: {  	_ =	shalt  }
0x61: {  	_ =	shalt  }
0x62: {  	_ =	shalt  }
0x63: {  	_ =	shalt  }
0x64: {  	_ =	shalt  }
0x65: {  	_ =	shalt  }
0x66: {  	_ =	shalt  }
0x67: {  	_ =	shalt  }
0x68: {  	_ =	shalt  }
0x69: {  	_ =	shalt  }
0x6a: {  	_ =	shalt  }
0x6b: {  	_ =	shalt  }
0x6c: {  	_ =	shalt  }
0x6d: {  	_ =	shalt  }
0x6e: {  	_ =	shalt  }
0x6f: {  	_ =	shalt  }
0x70: {  	_ =	shalt  }
0x71: {  	_ =	shalt  }
0x72: {  	_ =	shalt  }
0x73: {  	_ =	shalt  }
0x74: {  	_ =	shalt  }
0x75: {  	_ =	shalt  }
0x76: {  	_ =	shalt  }
0x77: {  	_ =	shalt  }
0x78: {  	_ =	shalt  }
0x79: {  	_ =	shalt  }
0x7a: {  	_ =	shalt  }
0x7b: {  	_ =	shalt  }
0x7c: {  	_ =	shalt  }
0x7d: {  	_ =	shalt  }
0x7e: {  	_ =	shalt  }
0x7f: {  	_ =	shalt  }
0x80: {  	_ =	shalt  }
0x81: {  	_ =	shalt  }
0x82: {  	_ =	shalt  }
0x83: {  	_ =	shalt  }
0x84: {  	_ =	shalt  }
0x85: {  	_ =	shalt  }
0x86: {  	_ =	shalt  }
0x87: {  	_ =	shalt  }
.Lfunc_end0:
.L_simem_size_0:
called_computation_lowered:
.L_overlay_start_0:
0x88: {  	s2 =	sld [smem:$0x3FD9]  }
0x89: {  	s3 =	sld [smem:$0x3FFE];
	_ =	sdelay $0x1  }
0x8a: {  	s1 =	srdreg.scid  }
0x8b: {  	s0 =	sand.u32 $0x1, s1  }
0x8c: {  	s16 =	sshll.u32 s0, $0xA;
	s2 =	sadd.s32 s3, s2  }
0x8d: {  	s2 =	sadd.s32 s2, s16  }
0x8e: {  	[smem:$0x3FB9] =	sst s2  }
0x8f: {  	_ = 	snop  }
0x90: {  	(tm) =	ssettm $0x1  }
0x91: {  	s17 =	sld [smem:$0x3FFB];
	_ =	sdelay $0x3  }
0x92: {  	_ =	strace s17  }
0x93: {  	s2 =	sld [smem:$0x3FFC];
	_ =	sdelay $0x3  }
0x94: {  	_ =	strace s2  }
0x95: {  	s2 =	sld [smem:$0x3FFD];
	_ =	sdelay $0x3  }
0x96: {  	_ =	strace s2  }
0x97: {  	_ =	strace $0x8FFFFFFF  }
0x98: {  	s18 =	sld [smem:$0x3FDB];
	_ =	sdelay $0x1  }
0x99: {  	s19 =	simm.s32 $_scs_section_size  }
0x9a: {  	s4 =	simm.s32 $_size__tile_overlayer_lowered;
	s5 =	simm.s32 $_tile_overlayer_lowered  }
0x9b: {  	s22 =	simm.s32 $0x1BFF;
	s21 =	sshll.u32 s5, $0x1;
	s2 =	sadd.s32 s19, s18  }
0x9c: {  	s6 =	simm.s32 $0x0;
	s20 =	sshll.u32 s4, $0x1;
	s4 =	sadd.s32 s21, s2  }
0x9d: {  	[timem:s6], [sflag:s22] =	dma.local [hbm:s4], s20  }
0x9e: {  	_ =	swait.ge [sflag:s22], s20  }
0x9f: {  	s3 =	ssub.s32 $0x0, s20;
	[sflag:s22] =	ssyncset.done $0x0  }
0xa0: {  	[sflag:s22] =	ssyncadd.s32 s3;
	_ =	sdelay $0x1  }
0xa1: {  	s23 =	simm.s32 $0x1B8B  }
0xa2: {  	_ =	swait.ge [sflag:s23], $0x1  }
0xa3: {  	[sflag:s23] =	ssyncset.done $0x0  }
0xa4: {  	s25 =	simm.s32 $0x1B8E;
	s24 =	sld [smem:$0x3FFE];
	[sflag:s23] =	ssyncadd.s32 $0xFFFFFFFF  }
0xa5: {  	s26 =	simm.s32 $execute0_lowered;
	[smem:$0x3FD2] =	sst s25  }
0xa6: {  	s4 =	sshll.u32 s26, $0x1;
	_ =	strace $0x80000046;
	[dreg:$0x1] =	wrdreg $0xFFFFFFFF  }
0xa7: {  	s28 =	simm.s32 $_size_execute0_lowered;
	s2 =	sadd.s32 s2, s4;
	[dreg:$0x0] =	wrdreg $0x0  }
0xa8: {  	s4 =	sshll.u32 s28, $0x1;
	[dreg:$0x2] =	wrdreg s2  }
0xa9: {  	[dreg:$0x3] =	wrdreg s4  }
0xaa: {  	[dreg:$0x4] =	wrdreg $0xC0  }
0xab: {  	_ =	task [dreg:s6], $0x5FFFF  }
0xac: {  	[dreg:$0x1] =	wrdreg $0xFFFFFFFF  }
0xad: {  	[dreg:$0x0] =	wrdreg $0x60  }
0xae: {  	[dreg:$0x2] =	wrdreg s24  }
0xaf: {  	[dreg:$0x3] =	wrdreg $0x5F800  }
0xb0: {  	[dreg:$0x4] =	wrdreg $0x86900  }
0xb1: {  	[dreg:$0x5] =	wrdreg $0x9  }
0xb2: {  	_ =	task.clear_ibuf [dreg:s6], $0x6FFFF;
	_ =	strace $0x90000046  }
0xb3: {  	s29 =	simm.s32 $0x9;
	_ =	strace $0x80000048  }
0xb4: {  	_ =	swait.ge [sflag:s29], $0x1  }
0xb5: {  	[sflag:s29] =	ssyncadd.s32 $0xFFFFFFFF  }
0xb6: {  	_ =	strace $0x90000048  }
0xb7: {  	_ =	sfence  }
0xb8: {  	s30 =	sld [smem:$0x0];
	_ =	sdelay $0x2  }
0xb9: {  	s31 =	sshll.u32 s1, $0xD;
	s1 =	sshrl.u32 s1, $0x2  }
0xba: {  	s3 =	sand.u32 $0x4000, s31;
	s1 =	sadd.s32 s1, s30  }
0xbb: {  	s0 =	sor.u32 s3, s0;
	s1 =	sshll.u32 s1, $0x11  }
0xbc: {  	s0 =	sor.u32 s1, s0  }
0xbd: {  	s0 =	sadd.s32 $0x8F2B, s0  }
0xbe: {  	[sflag:s0] =	ssyncadd.remote.s32 $0x1  }
0xbf: {  	_ =	sfence.sel $0xFFFF  }
0xc0: {  	[dreg:$0x0] =	wrdreg $0xFFFFFFFF;
	(pc) =	sbr.abs _section_cstart, $3  }
0xc1: {  	[dreg:$0x1] =	wrdreg $0xFFFFFFFF  }
0xc2: {  	_ =	task.clear_ibuf [dreg:s6], $0x2FFFF;
	_ =	strace $0x9FFFFFFF  }
0xc3: {  	(tm) =	ssettm $0x7FFFFFFF  }
tec
execute0_lowered:
.L_overlay_start_1:
0x0: {  	(tag) =	ssettag $0x1  }
0x1: {  	s5 =	rddreg [dreg:$0x0]  }
0x2: {  	s0 =	stileid.u32;
	s2 =	rddreg [dreg:$0x1]  }
0x3: {  	s1 =	srdreg.scid;
	s3 =	rddreg [dreg:$0x2];
	s4 =	simm.s32 $0x0  }
0x4: {  	s14 =	simm.s32 $0x4;
	s15 =	simm.s32 $0x3;
	s16 =	simm.s32 $0x80  }
0x5: {  	s17 =	simm.s32 $0x2800;
	s18 =	simm.s32 $0x3000;
	s19 =	simm.s32 $0x1  }
0x6: {  	s20 =	simm.s32 $0x2;
	s21 =	simm.s32 $0x1380;
	s22 =	simm.s32 $0x2700  }
0x7: {  	s23 =	simm.s32 $0x2780;
	s6 =	sand.u32 $0x1, s1;
	s1 =	rddreg [dreg:$0x3]  }
0x8: {  	s29 =	sshll.u32 s0, $0x1;
	s7 =	smul.u32 $0x2710, s0;
	[smem:$0x7FF] =	sst s4  }
0x9: {  	s12 =	smul.u32 $0x2780, s0;
	s31 =	sshll.u32 s0, $0x6;
	s8 =	sor.u32 s6, s29  }
0xa: {  	s10 =	smul.u32 $0x4F00, s6;
	_ =	strace $0x80000047;
	s6 =	ssub.s32 $0x2, s6  }
0xb: {  	s8 =	smul.u32 $0x280, s8;
	s9 =	sshrl.u32 s7, $0x3;
	s30 =	sshrl.u32 s6, $0x1  }
0xc: {  	s13 =	sadd.s32 s7, s2;
	s25 =	sshrl.u32 s12, $0x3;
	s9 =	sadd.s32 s9, s5  }
0xd: {  	s10 =	sadd.s32 s10, s5;
	s11 =	ssub.s32 s6, s30;
	s8 =	sadd.s32 s8, s5  }
0xe: {  	s7 =	sadd.s32 $0x1C00, s9;
	s9 =	sadd.s32 s12, s3;
	s24 =	sadd.s32 $0x10C00, s10  }
0xf: {  	s10 =	smax.u32 s11, $0x1;
	s11 =	simm.s32 $0x1400;
	s12 =	sshrl.u32 s13, $0x3  }
0x10: {  	s13 =	simm.s32 $0x3800;
	s5 =	sadd.s32 $0xBC00, s8;
	s6 =	sadd.s32 $0x6C00, s8  }
0x11: {  	v0 =	vimm.f32 $0.0e+00;
	s8 =	sor.u32 $0x1C03, s31;
	s24 =	sadd.s32 s25, s24;
	s25 =	simm.s32 $0x0  }
.LBB2_1:
0x12: {  	[tilespmem:s4], [sflag:$0x3] =	stream.linear.gather [hbm4b:s5+s4], $0x1400, $0x38;
	[tilespmem:$0xAE10] =	vst v63  }
0x13: {  	s26 =	simm.s32 $0x40;
	s28 =	simm.s32 $0x0  }
0x14: {  	[tilespmem:s11], [sflag:$0x3] =	stream.linear.gather [hbm4b:s6+s4], $0x1400, $0x38;
	[tilespmem:$0xAE10] =	vst v63  }
0x15: {  	[spmem:s12], [sflag:s8] =	dma.local [hbm:s7], $0x4E2  }
.LBB2_2:
0x16: {  	p0 =	sne.s32 s26, $0x9DC0;
	[tilespmem:s28+$0x3800] =	vst v0;
	s28 =	smov.u32 s26;
	s26 =	sadd.s32 $0x40, s26  }
.Ltmp0:
0x17: {  	(pc) =	sbr.rel @p0 .LBB2_2-.Ltmp0, $2  }
0x18: {  	_ =	sdelay $0x2  }
0x19: {  	s28 =	sshra.s32 s28, $0x2  }
0x1a: {  	[tilespmem:s28+$0x3800] =	vst v0  }
0x1b: {  	[spmem:s9] =	stream.linear.scatter [tilespmem:s13], [sflag:$0x4], $0x2780, $0x38;
	[tilespmem:$0xAE10] =	vst v63  }
0x1c: {  	_ =	swait.ge [sflag:s14], $0x2780  }
0x1d: {  	[sflag:s14] =	ssyncset.done $0x0  }
0x1e: {  	[sflag:s14] =	ssyncadd.s32 $0xFFFFD880  }
0x1f: {  	_ =	swait.ge [sflag:s15], $0x1400  }
0x20: {  	[sflag:s15] =	ssyncset.done $0x0  }
0x21: {  	[sflag:s15] =	ssyncadd.s32 $0xFFFFEC00  }
0x22: {  	_ =	swait.ge [sflag:s15], $0x1400  }
0x23: {  	[sflag:s15] =	ssyncset.done $0x0  }
0x24: {  	[sflag:s15] =	ssyncadd.s32 $0xFFFFEC00  }
0x25: {  	_ =	swait.ge [sflag:s15], $0x4E2  }
0x26: {  	[sflag:s15] =	ssyncset.done $0x0  }
0x27: {  	[sflag:s15] =	ssyncadd.s32 $0xFFFFFB1E  }
0x28: {  	s26 =	simm.s32 $0x0;
	[bflag:$0x0] =	sbarrier.arrive $0xFFFF  }
0x29: {  	[tilespmem:s17], [sflag:$0x1] =	stream.indirect.gather [spmem:s2], $0x10, s26, s16, $0xb8;
	[tilespmem:$0xAE10] =	vst v63  }
0x2a: {  	s31 =	simm.s32 $0x80  }
0x2b: {  	[tilespmem:s18], [sflag:$0x2] =	stream.indirect.gather [spmem:s2], $0x10, s31, s16, $0xb8;
	[tilespmem:$0xAE10] =	vst v63  }
0x2c: {  	_ =	swait.ge [sflag:s19], $0x800  }
0x2d: {  	[sflag:s19] =	ssyncset.done $0x0  }
0x2e: {  	s29 =	simm.s32 $0x1400;
	[sflag:s19] =	ssyncadd.s32 $0xFFFFF800  }
0x2f: {  	[spmem:s3] =	stream.indirect.scatter.add.f32 [tilespmem:s17], [sflag:$0x4], $0x10, s29, s16, $0xb8;
	[tilespmem:$0xAE10] =	vst v63  }
0x30: {  	_ =	swait.ge [sflag:s14], $0x800  }
0x31: {  	[sflag:s14] =	ssyncset.done $0x0  }
0x32: {  	s30 =	simm.s32 $0x100;
	[sflag:s14] =	ssyncadd.s32 $0xFFFFF800  }
0x33: {  	[tilespmem:s17], [sflag:$0x1] =	stream.indirect.gather [spmem:s2], $0x10, s30, s16, $0xb8;
	[tilespmem:$0xAE10] =	vst v63  }
0x34: {  	_ =	swait.ge [sflag:s20], $0x800  }
0x35: {  	[sflag:s20] =	ssyncset.done $0x0  }
0x36: {  	s31 =	simm.s32 $0x1480;
	[sflag:s20] =	ssyncadd.s32 $0xFFFFF800  }
0x37: {  	[spmem:s3] =	stream.indirect.scatter.add.f32 [tilespmem:s18], [sflag:$0x4], $0x10, s31, s16, $0xb8;
	[tilespmem:$0xAE10] =	vst v63  }
0x38: {  	_ =	swait.ge [sflag:s14], $0x800  }
0x39: {  	s28 =	simm.s32 $0x800;
	s26 =	simm.s32 $0x100;
	[sflag:s14] =	ssyncset.done $0x0  }
.LBB2_4:
0x3a: {  	s29 =	sadd.s32 $0x80, s26  }
0x3b: {  	[sflag:s14] =	ssyncadd.s32 $0xFFFFF800;
	s30 =	smov.u32 s28;
	s31 =	sadd.s32 $0x400, s28  }
0x3c: {  	[tilespmem:s18], [sflag:$0x2] =	stream.indirect.gather [spmem:s2], $0x10, s29, s16, $0xb8;
	[tilespmem:$0xAE10] =	vst v63  }
0x3d: {  	p0 =	sne.s32 s28, $0x4800;
	_ =	swait.ge [sflag:s19], $0x800  }
0x3e: {  	[sflag:s19] =	ssyncset.done $0x0  }
0x3f: {  	s28 =	sadd.s32 $0x1400, s26;
	[sflag:s19] =	ssyncadd.s32 $0xFFFFF800  }
0x40: {  	[spmem:s3] =	stream.indirect.scatter.add.f32 [tilespmem:s17], [sflag:$0x4], $0x10, s28, s16, $0xb8;
	[tilespmem:$0xAE10] =	vst v63  }
0x41: {  	_ =	swait.ge [sflag:s14], $0x800  }
0x42: {  	[sflag:s14] =	ssyncset.done $0x0  }
0x43: {  	s28 =	sadd.s32 $0x100, s26;
	[sflag:s14] =	ssyncadd.s32 $0xFFFFF800  }
0x44: {  	[tilespmem:s17], [sflag:$0x1] =	stream.indirect.gather [spmem:s2], $0x10, s28, s16, $0xb8;
	[tilespmem:$0xAE10] =	vst v63  }
0x45: {  	_ =	swait.ge [sflag:s20], $0x800  }
.Ltmp1:
0x46: {  	[sflag:s20] =	ssyncset.done $0x0;
	(pc) =	sbr.rel @p0 .LBB2_4-.Ltmp1, $4  }
0x47: {  	s26 =	sadd.s32 $0x1480, s26;
	[sflag:s20] =	ssyncadd.s32 $0xFFFFF800  }
0x48: {  	[spmem:s3] =	stream.indirect.scatter.add.f32 [tilespmem:s18], [sflag:$0x4], $0x10, s26, s16, $0xb8;
	[tilespmem:$0xAE10] =	vst v63  }
0x49: {  	_ =	swait.ge [sflag:s14], $0x800  }
0x4a: {  	s28 =	smov.u32 s31;
	s26 =	sshra.s32 s30, $0x2;
	[sflag:s14] =	ssyncset.done $0x0  }
0x4b: {  	s28 =	sadd.s32 $0x80, s26;
	[sflag:s14] =	ssyncadd.s32 $0xFFFFF800  }
0x4c: {  	[tilespmem:s18], [sflag:$0x2] =	stream.indirect.gather [spmem:s2], $0x10, s28, s16, $0xb8;
	[tilespmem:$0xAE10] =	vst v63  }
0x4d: {  	_ =	swait.ge [sflag:s19], $0x800  }
0x4e: {  	[sflag:s19] =	ssyncset.done $0x0  }
0x4f: {  	s29 =	sadd.s32 $0x1400, s26;
	[sflag:s19] =	ssyncadd.s32 $0xFFFFF800  }
0x50: {  	[spmem:s3] =	stream.indirect.scatter.add.f32 [tilespmem:s17], [sflag:$0x4], $0x10, s29, s16, $0xb8;
	[tilespmem:$0xAE10] =	vst v63  }
0x51: {  	_ =	swait.ge [sflag:s14], $0x800  }
0x52: {  	[sflag:s14] =	ssyncset.done $0x0  }
0x53: {  	s30 =	sadd.s32 $0x100, s26;
	[sflag:s14] =	ssyncadd.s32 $0xFFFFF800  }
0x54: {  	[tilespmem:s17], [sflag:$0x1] =	stream.indirect.gather [spmem:s2], $0x10, s30, s16, $0xb8;
	[tilespmem:$0xAE10] =	vst v63  }
0x55: {  	_ =	swait.ge [sflag:s20], $0x800  }
0x56: {  	[sflag:s20] =	ssyncset.done $0x0  }
0x57: {  	s31 =	sadd.s32 $0x1480, s26;
	[sflag:s20] =	ssyncadd.s32 $0xFFFFF800  }
0x58: {  	[spmem:s3] =	stream.indirect.scatter.add.f32 [tilespmem:s18], [sflag:$0x4], $0x10, s31, s16, $0xb8;
	[tilespmem:$0xAE10] =	vst v63  }
0x59: {  	_ =	swait.ge [sflag:s14], $0x800  }
0x5a: {  	[sflag:s14] =	ssyncset.done $0x0  }
0x5b: {  	[sflag:s14] =	ssyncadd.s32 $0xFFFFF800  }
0x5c: {  	[tilespmem:s18], [sflag:$0x2] =	stream.indirect.gather [spmem:s2], $0x10, s21, s16, $0xb8;
	[tilespmem:$0xAE10] =	vst v63  }
0x5d: {  	_ =	swait.ge [sflag:s19], $0x800  }
0x5e: {  	[sflag:s19] =	ssyncset.done $0x0  }
0x5f: {  	[sflag:s19] =	ssyncadd.s32 $0xFFFFF800  }
0x60: {  	[spmem:s3] =	stream.indirect.scatter.add.f32 [tilespmem:s17], [sflag:$0x4], $0x10, s22, s16, $0xb8;
	[tilespmem:$0xAE10] =	vst v63  }
0x61: {  	_ =	swait.ge [sflag:s14], $0x800  }
0x62: {  	[sflag:s14] =	ssyncset.done $0x0  }
0x63: {  	[sflag:s14] =	ssyncadd.s32 $0xFFFFF800  }
0x64: {  	_ =	swait.ge [sflag:s20], $0x800  }
0x65: {  	[sflag:s20] =	ssyncset.done $0x0  }
0x66: {  	[sflag:s20] =	ssyncadd.s32 $0xFFFFF800  }
0x67: {  	[spmem:s3] =	stream.indirect.scatter.add.f32 [tilespmem:s18], [sflag:$0x4], $0x10, s23, s16, $0xb8;
	[tilespmem:$0xAE10] =	vst v63  }
0x68: {  	_ =	swait.ge [sflag:s14], $0x800  }
0x69: {  	[sflag:s14] =	ssyncset.done $0x0  }
0x6a: {  	[sflag:s14] =	ssyncadd.s32 $0xFFFFF800  }
0x6b: {  	[bflag:$0x0] =	sbarrier.arrive $0xFFFF  }
0x6c: {  	[tilespmem:s13], [sflag:$0x4] =	stream.linear.gather [spmem:s9], $0x2780, $0x38;
	[tilespmem:$0xAE10] =	vst v63  }
0x6d: {  	s25 =	sadd.s32 $0x1, s25;
	_ =	swait.ge [sflag:s14], $0x2780  }
0x6e: {  	p0 =	sne.s32 s25, s10;
	[sflag:s14] =	ssyncset.done $0x0  }
.Ltmp2:
0x6f: {  	[sflag:s14] =	ssyncadd.s32 $0xFFFFD880;
	(pc) =	sbr.rel @p0 .LBB2_1-.Ltmp2, $4  }
0x70: {  	[hbm4b:s24+s4] =	stream.linear.scatter [tilespmem:s13], [sflag:$0x4], $0x2780, $0x38;
	[tilespmem:$0xAE10] =	vst v63  }
0x71: {  	_ =	swait.ge [sflag:s14], $0x2780  }
0x72: {  	[sflag:s14] =	ssyncset.done $0x0  }
0x73: {  	[sflag:s14] =	ssyncadd.s32 $0xFFFFD880  }
0x74: {  	_ =	sfence.sel $0x180000  }
0x75: {  	[bflag:$0x0] =	sbarrier.arrive $0xFFFF  }
0x76: {  	p0 =	sne.s32 s0, $0x0;
	_ =	strace $0x90000047  }
0x77: {  	s0 =	sadd.s32 @!p0 $0x100000, s1;
	[bflag:$0x2] =	sbarrier.arrive $0xFFFF  }
0x78: {  	[sflag:s0] =	ssyncadd.tile.s32 @!p0 $0x1;
	_ =	shalt  }
.Lfunc_end2:
_tile_overlayer_lowered:
.L_overlay_start_2:
0x79: {  	(tag) =	ssettag $0x2  }
0x7a: {  	s0 =	rddreg [dreg:$0x0];
	s2 =	stileid.u32  }
0x7b: {  	s1 =	rddreg [dreg:$0x1];
	p0 =	sne.s32 s2, $0x0  }
0x7c: {  	s3 =	rddreg [dreg:$0x2];
	[bflag:$0x3] =	sbarrier.arrive $0xFFFF;
	s2 =	simm.s32 @!p0 $0x1C04  }
0x7d: {  	[timem:s3], [sflag:s2] =	dma.local @!p0 [hbm:s0], s1  }
0x7e: {  	s0 =	simm.s32 @!p0 $0x4  }
0x7f: {  	_ =	swait.ge @!p0 [sflag:s0], s1  }
0x80: {  	s1 =	ssub.s32 @!p0 $0x0, s1;
	[sflag:s0] =	ssyncset.done @!p0 $0x0  }
0x81: {  	[sflag:s0] =	ssyncadd.s32 @!p0 s1  }
0x82: {  	[bflag:$0x3] =	sbarrier.arrive $0xFFFF  }
0x83: {  	_ =	shalt  }

</sc_bundles>
